<compile_context>
chip_gen: v7x
topology: tpu7x:2x2x1
jax: 0.10.2.dev20260603
libtpu: 0.0.44.dev20260713+nightly
codegen_flags: <defaults>
</compile_context>

<pallas_src>
import functools

import jax
import jax.numpy as jnp
from jax import lax
from jax.experimental import pallas as pl
from jax.experimental.pallas import tpu as pltpu
from jax.experimental.pallas import tpu_sc as plsc

NH = 16
S = 48
P = S * S
TBL = 127
OFF = 63
I_CHUNK = 16
ROWS = I_CHUNK * S

NW = 32
B_PER = P // NW
LANES = 16


def _sc_lookup_body(tbl_hbm, bhw_hbm, idx_v, rows_v, sem):
    wid = lax.axis_index("s") * 2 + lax.axis_index("c")
    base = wid * B_PER
    for k in range(5):
        off = B_PER - LANES if k == 4 else k * LANES
        pvec = (jnp.full((LANES,), base + off, jnp.int32)
                + lax.iota(jnp.int32, LANES))
        idx_v[pl.ds(off, LANES)] = (lax.div(pvec, jnp.int32(S))
                                    - lax.rem(pvec, jnp.int32(S))
                                    + jnp.int32(OFF))
    pltpu.async_copy(tbl_hbm.at[idx_v], rows_v, sem).wait()
    pltpu.sync_copy(rows_v, bhw_hbm.at[pl.ds(base, B_PER)])


@functools.lru_cache(maxsize=1)
def _sc_lookup():
    return pl.kernel(
        _sc_lookup_body,
        mesh=plsc.VectorSubcoreMesh(core_axis_name="c", subcore_axis_name="s"),
        out_type=jax.ShapeDtypeStruct((P, 2 * NH), jnp.float32),
        scratch_types=[
            pltpu.VMEM((B_PER,), jnp.int32),
            pltpu.VMEM((B_PER, 2 * NH), jnp.float32),
            pltpu.SemaphoreType.DMA,
        ],
        compiler_params=pltpu.CompilerParams(use_tc_tiling_on_sc=False),
    )


def _expand_kernel(bh_ref, bw_ref, out_ref):
    bh2 = bh_ref[0]
    bw2 = bw_ref[0]

    r_i = jax.lax.broadcasted_iota(jnp.int32, (ROWS, I_CHUNK), 0)
    c_i = jax.lax.broadcasted_iota(jnp.int32, (ROWS, I_CHUNK), 1)
    pr = (r_i // S == c_i).astype(jnp.float32)
    r_j = jax.lax.broadcasted_iota(jnp.int32, (ROWS, S), 0)
    c_j = jax.lax.broadcasted_iota(jnp.int32, (ROWS, S), 1)
    qr = (r_j % S == c_j).astype(jnp.float32)

    bh_rows = jax.lax.dot(pr, bh2, preferred_element_type=jnp.float32)
    bw_rows = jax.lax.dot(qr, bw2, preferred_element_type=jnp.float32)
    lhs = jnp.concatenate([bh_rows, bw_rows], axis=1)

    rr = jax.lax.broadcasted_iota(jnp.int32, (S, P), 0)
    cc = jax.lax.broadcasted_iota(jnp.int32, (S, P), 1)
    pc = (cc // S == rr).astype(jnp.float32)
    qc = (cc % S == rr).astype(jnp.float32)
    rhs = jnp.concatenate([pc, qc], axis=0)

    out_ref[0] = jax.lax.dot(lhs, rhs, preferred_element_type=jnp.float32)


def kernel(height, width, device, height_bias, width_bias):
    tbl = jnp.concatenate([height_bias, width_bias], axis=1)
    bhw = _sc_lookup()(tbl)

    bh = bhw[:, :NH].reshape(S, S, NH).transpose(2, 0, 1)
    bw = bhw[:, NH:2 * NH].reshape(S, S, NH).transpose(2, 0, 1)

    out = pl.pallas_call(
        _expand_kernel,
        grid=(NH, S // I_CHUNK),
        in_specs=[
            pl.BlockSpec((1, I_CHUNK, S), lambda n, g: (n, g, 0)),
            pl.BlockSpec((1, S, S), lambda n, g: (n, 0, 0)),
        ],
        out_specs=pl.BlockSpec((1, ROWS, P), lambda n, g: (n, g, 0)),
        out_shape=jax.ShapeDtypeStruct((NH, P, P), jnp.float32),
    )(bh, bw)
    return out

# --- scband reference (transcript-rebuilt; emitter-appended) ---
"""Pipeline reference for scband-relative-position-bias2-d-52201032516077 (READ-ONLY COPY).

The authoritative reference and input builder live on the scoring server;
editing this copy changes nothing except your own understanding.
"""

import jax, jax.numpy as jnp
import numpy as np

NUM_HEADS = 16
MAX_H = 64
MAX_W = 64


def setup_inputs(seed: int = 0) -> dict:
    key = jax.random.key(seed)
    k1, k2 = jax.random.split(key)
    height_bias = jax.random.truncated_normal(k1, -2.0, 2.0, (2 * MAX_H - 1, NUM_HEADS), dtype=jnp.float32) * 0.02
    width_bias = jax.random.truncated_normal(k2, -2.0, 2.0, (2 * MAX_W - 1, NUM_HEADS), dtype=jnp.float32) * 0.02
    return {"height": 48, "width": 48, "device": 0, "height_bias": height_bias, "width_bias": width_bias}


def reference(height, width, device, height_bias, width_bias):
    h = 48
    w = 48
    coords_h = jnp.arange(h) + height * 0
    coords_w = jnp.arange(w) + width * 0
    rel_h = coords_h[:, None] - coords_h[None, :] + MAX_H - 1
    rel_w = coords_w[:, None] - coords_w[None, :] + MAX_W - 1
    bh = jnp.take(height_bias, rel_h.reshape(-1), axis=0).reshape(h, h, NUM_HEADS)
    bw = jnp.take(width_bias, rel_w.reshape(-1), axis=0).reshape(w, w, NUM_HEADS)
    bias = bh[:, None, :, None, :] + bw[None, :, None, :, :] + device * 0
    return jnp.transpose(bias, (4, 0, 1, 2, 3)).reshape(NUM_HEADS, h * w, h * w)

if __name__ == "__main__":
    import jax
    _d = setup_inputs()
    print(jax.jit(kernel)(*tuple(_d.values())))

</pallas_src>

<mosaic_0001>
#map = affine_map<(d0, d1) -> (0, 0)>
module attributes {stable_mosaic.version = 14 : i64} {
  func.func @_sc_lookup_body(%arg0: i32, %arg1: i32, %arg2: memref<127x32xf32, #tpu.memory_space<hbm>>, %arg3: memref<2304x32xf32, #tpu.memory_space<hbm>>, %arg4: memref<72xi32, #tpu.memory_space<vmem>>, %arg5: memref<72x32xf32, #tpu.memory_space<vmem>>, %arg6: memref<!tpu.dma_semaphore, #tpu.memory_space<semaphore_mem>>) attributes {dimension_semantics = [#tpu.dimension_semantics<core_parallel>, #tpu.dimension_semantics<subcore_parallel>], iteration_bounds = array<i64: 2, 16>, scalar_prefetch = 0 : i64, scratch_operands = 3 : i64, tpu.core_type = #tpu.core_type<sc_vector_subcore>, window_params = [{transform_indices = #map}, {transform_indices = #map}]} {
    %mul3A = arith.constant 2 : i32
    %mul3A_0 = arith.muli %arg1, %mul3A : i32
    %add3A = arith.addi %mul3A_0, %arg0 : i32
    %mul3A_1 = arith.constant 72 : i32
    %mul3A_2 = arith.muli %add3A, %mul3A_1 : i32
    %add3A_3 = arith.constant 0 : i32
    %add3A_4 = arith.addi %mul3A_2, %add3A_3 : i32
    %broadcast_in_dim3A = vector.broadcast %add3A_4 : i32 to vector<16xi32>
    %iota3A = tpu.iota {dimensions = array<i32: 0>} : vector<16xi32>
    %add3A_5 = arith.addi %broadcast_in_dim3A, %iota3A : vector<16xi32>
    %div3A = arith.constant 48 : i32
    %div3A_6 = vector.broadcast %div3A : i32 to vector<16xi32>
    %div3A_7 = arith.divsi %add3A_5, %div3A_6 : vector<16xi32>
    %rem3A = arith.constant 48 : i32
    %rem3A_8 = vector.broadcast %rem3A : i32 to vector<16xi32>
    %rem3A_9 = arith.remsi %add3A_5, %rem3A_8 : vector<16xi32>
    %sub3A = arith.subi %div3A_7, %rem3A_9 : vector<16xi32>
    %add3A_10 = arith.constant 63 : i32
    %add3A_11 = vector.broadcast %add3A_10 : i32 to vector<16xi32>
    %add3A_12 = arith.addi %sub3A, %add3A_11 : vector<16xi32>
    %swap3A = arith.constant 0 : index
    %swap3A_13 = tpu.vector_load %arg4[%swap3A] {strides = array<i32>} : memref<72xi32, #tpu.memory_space<vmem>>, vector<16xi32>,
    %swap3A_14 = vector.shape_cast %swap3A_13 : vector<16xi32> to vector<16xi32>
    %swap3A_15 = vector.shape_cast %add3A_12 : vector<16xi32> to vector<16xi32>
    tpu.vector_store %arg4[%swap3A], %swap3A_15 {strides = array<i32>} : memref<72xi32, #tpu.memory_space<vmem>>, vector<16xi32>,
    %add3A_16 = arith.constant 16 : i32
    %add3A_17 = arith.addi %mul3A_2, %add3A_16 : i32
    %broadcast_in_dim3A_18 = vector.broadcast %add3A_17 : i32 to vector<16xi32>
    %iota3A_19 = tpu.iota {dimensions = array<i32: 0>} : vector<16xi32>
    %add3A_20 = arith.addi %broadcast_in_dim3A_18, %iota3A_19 : vector<16xi32>
    %div3A_21 = arith.constant 48 : i32
    %div3A_22 = vector.broadcast %div3A_21 : i32 to vector<16xi32>
    %div3A_23 = arith.divsi %add3A_20, %div3A_22 : vector<16xi32>
    %rem3A_24 = arith.constant 48 : i32
    %rem3A_25 = vector.broadcast %rem3A_24 : i32 to vector<16xi32>
    %rem3A_26 = arith.remsi %add3A_20, %rem3A_25 : vector<16xi32>
    %sub3A_27 = arith.subi %div3A_23, %rem3A_26 : vector<16xi32>
    %add3A_28 = arith.constant 63 : i32
    %add3A_29 = vector.broadcast %add3A_28 : i32 to vector<16xi32>
    %add3A_30 = arith.addi %sub3A_27, %add3A_29 : vector<16xi32>
    %swap3A_31 = arith.constant 16 : index
    %swap3A_32 = tpu.vector_load %arg4[%swap3A_31] {strides = array<i32>} : memref<72xi32, #tpu.memory_space<vmem>>, vector<16xi32>,
    %swap3A_33 = vector.shape_cast %swap3A_32 : vector<16xi32> to vector<16xi32>
    %swap3A_34 = vector.shape_cast %add3A_30 : vector<16xi32> to vector<16xi32>
    tpu.vector_store %arg4[%swap3A_31], %swap3A_34 {strides = array<i32>} : memref<72xi32, #tpu.memory_space<vmem>>, vector<16xi32>,
    %add3A_35 = arith.constant 32 : i32
    %add3A_36 = arith.addi %mul3A_2, %add3A_35 : i32
    %broadcast_in_dim3A_37 = vector.broadcast %add3A_36 : i32 to vector<16xi32>
    %iota3A_38 = tpu.iota {dimensions = array<i32: 0>} : vector<16xi32>
    %add3A_39 = arith.addi %broadcast_in_dim3A_37, %iota3A_38 : vector<16xi32>
    %div3A_40 = arith.constant 48 : i32
    %div3A_41 = vector.broadcast %div3A_40 : i32 to vector<16xi32>
    %div3A_42 = arith.divsi %add3A_39, %div3A_41 : vector<16xi32>
    %rem3A_43 = arith.constant 48 : i32
    %rem3A_44 = vector.broadcast %rem3A_43 : i32 to vector<16xi32>
    %rem3A_45 = arith.remsi %add3A_39, %rem3A_44 : vector<16xi32>
    %sub3A_46 = arith.subi %div3A_42, %rem3A_45 : vector<16xi32>
    %add3A_47 = arith.constant 63 : i32
    %add3A_48 = vector.broadcast %add3A_47 : i32 to vector<16xi32>
    %add3A_49 = arith.addi %sub3A_46, %add3A_48 : vector<16xi32>
    %swap3A_50 = arith.constant 32 : index
    %swap3A_51 = tpu.vector_load %arg4[%swap3A_50] {strides = array<i32>} : memref<72xi32, #tpu.memory_space<vmem>>, vector<16xi32>,
    %swap3A_52 = vector.shape_cast %swap3A_51 : vector<16xi32> to vector<16xi32>
    %swap3A_53 = vector.shape_cast %add3A_49 : vector<16xi32> to vector<16xi32>
    tpu.vector_store %arg4[%swap3A_50], %swap3A_53 {strides = array<i32>} : memref<72xi32, #tpu.memory_space<vmem>>, vector<16xi32>,
    %add3A_54 = arith.constant 48 : i32
    %add3A_55 = arith.addi %mul3A_2, %add3A_54 : i32
    %broadcast_in_dim3A_56 = vector.broadcast %add3A_55 : i32 to vector<16xi32>
    %iota3A_57 = tpu.iota {dimensions = array<i32: 0>} : vector<16xi32>
    %add3A_58 = arith.addi %broadcast_in_dim3A_56, %iota3A_57 : vector<16xi32>
    %div3A_59 = arith.constant 48 : i32
    %div3A_60 = vector.broadcast %div3A_59 : i32 to vector<16xi32>
    %div3A_61 = arith.divsi %add3A_58, %div3A_60 : vector<16xi32>
    %rem3A_62 = arith.constant 48 : i32
    %rem3A_63 = vector.broadcast %rem3A_62 : i32 to vector<16xi32>
    %rem3A_64 = arith.remsi %add3A_58, %rem3A_63 : vector<16xi32>
    %sub3A_65 = arith.subi %div3A_61, %rem3A_64 : vector<16xi32>
    %add3A_66 = arith.constant 63 : i32
    %add3A_67 = vector.broadcast %add3A_66 : i32 to vector<16xi32>
    %add3A_68 = arith.addi %sub3A_65, %add3A_67 : vector<16xi32>
    %swap3A_69 = arith.constant 48 : index
    %swap3A_70 = tpu.vector_load %arg4[%swap3A_69] {strides = array<i32>} : memref<72xi32, #tpu.memory_space<vmem>>, vector<16xi32>,
    %swap3A_71 = vector.shape_cast %swap3A_70 : vector<16xi32> to vector<16xi32>
    %swap3A_72 = vector.shape_cast %add3A_68 : vector<16xi32> to vector<16xi32>
    tpu.vector_store %arg4[%swap3A_69], %swap3A_72 {strides = array<i32>} : memref<72xi32, #tpu.memory_space<vmem>>, vector<16xi32>,
    %add3A_73 = arith.constant 56 : i32
    %add3A_74 = arith.addi %mul3A_2, %add3A_73 : i32
    %broadcast_in_dim3A_75 = vector.broadcast %add3A_74 : i32 to vector<16xi32>
    %iota3A_76 = tpu.iota {dimensions = array<i32: 0>} : vector<16xi32>
    %add3A_77 = arith.addi %broadcast_in_dim3A_75, %iota3A_76 : vector<16xi32>
    %div3A_78 = arith.constant 48 : i32
    %div3A_79 = vector.broadcast %div3A_78 : i32 to vector<16xi32>
    %div3A_80 = arith.divsi %add3A_77, %div3A_79 : vector<16xi32>
    %rem3A_81 = arith.constant 48 : i32
    %rem3A_82 = vector.broadcast %rem3A_81 : i32 to vector<16xi32>
    %rem3A_83 = arith.remsi %add3A_77, %rem3A_82 : vector<16xi32>
    %sub3A_84 = arith.subi %div3A_80, %rem3A_83 : vector<16xi32>
    %add3A_85 = arith.constant 63 : i32
    %add3A_86 = vector.broadcast %add3A_85 : i32 to vector<16xi32>
    %add3A_87 = arith.addi %sub3A_84, %add3A_86 : vector<16xi32>
    %swap3A_88 = arith.constant 56 : index
    %swap3A_89 = tpu.vector_load %arg4[%swap3A_88] {strides = array<i32>} : memref<72xi32, #tpu.memory_space<vmem>>, vector<16xi32>,
    %swap3A_90 = vector.shape_cast %swap3A_89 : vector<16xi32> to vector<16xi32>
    %swap3A_91 = vector.shape_cast %add3A_87 : vector<16xi32> to vector<16xi32>
    tpu.vector_store %arg4[%swap3A_88], %swap3A_91 {strides = array<i32>} : memref<72xi32, #tpu.memory_space<vmem>>, vector<16xi32>,
    %dma_start3A = arith.constant 0 : i32
    %dma_start3A_92 = arith.constant 0 : i32
    %dma_start3A_93 = tpu.memref_slice %arg2[%dma_start3A, %dma_start3A_92] : memref<127x32xf32, #tpu.memory_space<hbm>> -> memref<127x32xf32, #tpu.memory_space<hbm>>
    tpu.enqueue_indirect_dma source(%dma_start3A_93 : memref<127x32xf32, #tpu.memory_space<hbm>>) target(%arg5 : memref<72x32xf32, #tpu.memory_space<vmem>>) offsets(%arg4 : memref<72xi32, #tpu.memory_space<vmem>>) semaphore(%arg6 : memref<!tpu.dma_semaphore, #tpu.memory_space<semaphore_mem>>)
    %dma_wait3A = arith.constant 0 : i32
    %dma_wait3A_94 = arith.constant 0 : i32
    %dma_wait3A_95 = tpu.memref_slice %arg2[%dma_wait3A, %dma_wait3A_94] : memref<127x32xf32, #tpu.memory_space<hbm>> -> memref<127x32xf32, #tpu.memory_space<hbm>>
    tpu.wait_indirect_dma semaphore(%arg6 : memref<!tpu.dma_semaphore, #tpu.memory_space<semaphore_mem>>) src(%dma_wait3A_95 : memref<127x32xf32, #tpu.memory_space<hbm>>) dst(%arg5 : memref<72x32xf32, #tpu.memory_space<vmem>>)
    "tpu.region"() ({
      %run_scoped3A = tpu.sem_alloc : memref<!tpu.dma_semaphore, #tpu.memory_space<semaphore_mem>>
      %dma_start3A_96 = arith.constant 0 : i32
      %dma_start3A_97 = tpu.memref_slice %arg3[%mul3A_2, %dma_start3A_96] : memref<2304x32xf32, #tpu.memory_space<hbm>> -> memref<72x32xf32, #tpu.memory_space<hbm>>
      %dma_start3A_98 = arith.constant 0 : i32
      %dma_start3A_99 = tpu.memref_slice %arg3[%mul3A_2, %dma_start3A_98] : memref<2304x32xf32, #tpu.memory_space<hbm>> -> memref<72x32xf32, #tpu.memory_space<hbm>>
      tpu.enqueue_dma source(%arg5 : memref<72x32xf32, #tpu.memory_space<vmem>>) target(%dma_start3A_99 : memref<72x32xf32, #tpu.memory_space<hbm>>) target_semaphore(%run_scoped3A : memref<!tpu.dma_semaphore, #tpu.memory_space<semaphore_mem>>)
      %dma_wait3A_100 = arith.constant 0 : i32
      %dma_wait3A_101 = tpu.memref_slice %arg3[%mul3A_2, %dma_wait3A_100] : memref<2304x32xf32, #tpu.memory_space<hbm>> -> memref<72x32xf32, #tpu.memory_space<hbm>>
      %dma_wait3A_102 = arith.constant 0 : i32
      %dma_wait3A_103 = tpu.memref_slice %arg3[%mul3A_2, %dma_wait3A_102] : memref<2304x32xf32, #tpu.memory_space<hbm>> -> memref<72x32xf32, #tpu.memory_space<hbm>>
      tpu.wait_dma2 semaphore(%run_scoped3A : memref<!tpu.dma_semaphore, #tpu.memory_space<semaphore_mem>>) src(%arg5 : memref<72x32xf32, #tpu.memory_space<vmem>>) dst(%dma_wait3A_103 : memref<72x32xf32, #tpu.memory_space<hbm>>)
      tpu.yield
    }) : () -> ()
    return
  }
}

module attributes {stable_mosaic.version = 14 : i64} {
  func.func @_expand_kernel(%arg0: i32, %arg1: i32, %arg2: memref<1x16x48xf32, #tpu.memory_space<vmem>>, %arg3: memref<1x48x48xf32, #tpu.memory_space<vmem>>, %arg4: memref<1x768x2304xf32, #tpu.memory_space<vmem>>) attributes {dimension_semantics = [#tpu.dimension_semantics<arbitrary>, #tpu.dimension_semantics<arbitrary>], iteration_bounds = array<i64: 16, 3>, scalar_prefetch = 0 : i64, scratch_operands = 0 : i64, tpu.core_type = #tpu.core_type<tc>, window_params = [{transform_indices = @transform_0, window_bounds = array<i64: 1, 16, 48>}, {transform_indices = @transform_1, window_bounds = array<i64: 1, 48, 48>}, {transform_indices = @transform_2, window_bounds = array<i64: 1, 768, 2304>}]} {
    %get3A = arith.constant 0 : index
    %get3A_0 = arith.constant 0 : index
    %get3A_1 = arith.constant 0 : index
    %get3A_2 = vector.load %arg2[%get3A, %get3A_0, %get3A_1] : memref<1x16x48xf32, #tpu.memory_space<vmem>>, vector<1x16x48xf32>
    %get3A_3 = vector.shape_cast %get3A_2 : vector<1x16x48xf32> to vector<16x48xf32>
    %get3A_4 = arith.constant 0 : index
    %get3A_5 = arith.constant 0 : index
    %get3A_6 = arith.constant 0 : index
    %get3A_7 = vector.load %arg3[%get3A_4, %get3A_5, %get3A_6] : memref<1x48x48xf32, #tpu.memory_space<vmem>>, vector<1x48x48xf32>
    %get3A_8 = vector.shape_cast %get3A_7 : vector<1x48x48xf32> to vector<48x48xf32>
    %iota3A = tpu.iota {dimensions = array<i32: 0>} : vector<768x16xi32>
    %iota3A_9 = tpu.iota {dimensions = array<i32: 1>} : vector<768x16xi32>
    %jit3A = arith.constant 48 : i32
    %div3A = vector.broadcast %jit3A : i32 to vector<768x16xi32>
    %div3A_10 = arith.divsi %iota3A, %div3A : vector<768x16xi32>
    %sign3A = arith.constant 0 : i32
    %sign3A_11 = vector.broadcast %sign3A : i32 to vector<768x16xi32>
    %sign3A_12 = arith.cmpi sgt, %iota3A, %sign3A_11 : vector<768x16xi32>
    %sign3A_13 = arith.extui %sign3A_12 : vector<768x16xi1> to vector<768x16xi32>
    %sign3A_14 = arith.constant 0 : i32
    %sign3A_15 = vector.broadcast %sign3A_14 : i32 to vector<768x16xi32>
    %sign3A_16 = arith.cmpi slt, %iota3A, %sign3A_15 : vector<768x16xi32>
    %sign3A_17 = arith.extui %sign3A_16 : vector<768x16xi1> to vector<768x16xi32>
    %sign3A_18 = arith.subi %sign3A_13, %sign3A_17 : vector<768x16xi32>
    %sign3A_19 = arith.constant 0 : i32
    %sign3A_20 = arith.cmpi sgt, %jit3A, %sign3A_19 : i32
    %sign3A_21 = arith.extui %sign3A_20 : i1 to i32
    %sign3A_22 = arith.constant 0 : i32
    %sign3A_23 = arith.cmpi slt, %jit3A, %sign3A_22 : i32
    %sign3A_24 = arith.extui %sign3A_23 : i1 to i32
    %sign3A_25 = arith.subi %sign3A_21, %sign3A_24 : i32
    %ne3A = vector.broadcast %sign3A_25 : i32 to vector<768x16xi32>
    %ne3A_26 = arith.cmpi ne, %sign3A_18, %ne3A : vector<768x16xi32>
    %rem3A = vector.broadcast %jit3A : i32 to vector<768x16xi32>
    %rem3A_27 = arith.remsi %iota3A, %rem3A : vector<768x16xi32>
    %ne3A_28 = arith.constant 0 : i32
    %ne3A_29 = vector.broadcast %ne3A_28 : i32 to vector<768x16xi32>
    %ne3A_30 = arith.cmpi ne, %rem3A_27, %ne3A_29 : vector<768x16xi32>
    %and3A = arith.andi %ne3A_26, %ne3A_30 : vector<768x16xi1>
    %sub3A = arith.constant 1 : i32
    %sub3A_31 = vector.broadcast %sub3A : i32 to vector<768x16xi32>
    %sub3A_32 = arith.subi %div3A_10, %sub3A_31 : vector<768x16xi32>
    %select_n3A = arith.select %and3A, %sub3A_32, %div3A_10 : vector<768x16xi1>, vector<768x16xi32>
    %eq3A = arith.cmpi eq, %select_n3A, %iota3A_9 : vector<768x16xi32>
    %convert_element_type3A = arith.extui %eq3A : vector<768x16xi1> to vector<768x16xi32>
    %convert_element_type3A_33 = arith.sitofp %convert_element_type3A : vector<768x16xi32> to vector<768x16xf32>
    %iota3A_34 = tpu.iota {dimensions = array<i32: 0>} : vector<768x48xi32>
    %iota3A_35 = tpu.iota {dimensions = array<i32: 1>} : vector<768x48xi32>
    %jit3A_36 = arith.constant 48 : i32
    %eq3A_37 = arith.constant 0 : i32
    %eq3A_38 = arith.cmpi eq, %jit3A_36, %eq3A_37 : i32
    %jit3A_39 = arith.constant 1 : i32
    %select_n3A_40 = arith.select %eq3A_38, %jit3A_39, %jit3A_36 : i32
    %rem3A_41 = vector.broadcast %select_n3A_40 : i32 to vector<768x48xi32>
    %rem3A_42 = arith.remsi %iota3A_34, %rem3A_41 : vector<768x48xi32>
    %ne3A_43 = arith.constant 0 : i32
    %ne3A_44 = vector.broadcast %ne3A_43 : i32 to vector<768x48xi32>
    %ne3A_45 = arith.cmpi ne, %rem3A_42, %ne3A_44 : vector<768x48xi32>
    %lt3A = arith.constant 0 : i32
    %lt3A_46 = vector.broadcast %lt3A : i32 to vector<768x48xi32>
    %lt3A_47 = arith.cmpi slt, %rem3A_42, %lt3A_46 : vector<768x48xi32>
    %lt3A_48 = arith.constant 0 : i32
    %lt3A_49 = arith.cmpi slt, %select_n3A_40, %lt3A_48 : i32
    %ne3A_50 = vector.broadcast %lt3A_49 : i1 to vector<768x48xi1>
    %ne3A_51 = vector.broadcast %ne3A_50 : vector<768x48xi1> to vector<768x48xi1>
    %ne3A_52 = arith.xori %lt3A_47, %ne3A_51 : vector<768x48xi1>
    %and3A_53 = arith.andi %ne3A_52, %ne3A_45 : vector<768x48xi1>
    %add3A = vector.broadcast %select_n3A_40 : i32 to vector<768x48xi32>
    %add3A_54 = arith.addi %rem3A_42, %add3A : vector<768x48xi32>
    %select_n3A_55 = arith.select %and3A_53, %add3A_54, %rem3A_42 : vector<768x48xi1>, vector<768x48xi32>
    %eq3A_56 = arith.cmpi eq, %select_n3A_55, %iota3A_35 : vector<768x48xi32>
    %convert_element_type3A_57 = arith.extui %eq3A_56 : vector<768x48xi1> to vector<768x48xi32>
    %convert_element_type3A_58 = arith.sitofp %convert_element_type3A_57 : vector<768x48xi32> to vector<768x48xf32>
    %dot_general3A = arith.constant dense<0.000000e+00> : vector<768x48xf32>
    %dot_general3A_59 = tpu.matmul %convert_element_type3A_33, %get3A_3, %dot_general3A {dimension_numbers = #tpu.dot_dimension_numbers<[1], [0], [0], [1], [0, 0, 1, 1], [], []>, transpose_lhs_hint = false} : vector<768x16xf32>, vector<16x48xf32>, vector<768x48xf32> -> vector<768x48xf32>
    %dot_general3A_60 = arith.constant dense<0.000000e+00> : vector<768x48xf32>
    %dot_general3A_61 = tpu.matmul %convert_element_type3A_58, %get3A_8, %dot_general3A_60 {dimension_numbers = #tpu.dot_dimension_numbers<[1], [0], [0], [1], [0, 0, 1, 1], [], []>, transpose_lhs_hint = false} : vector<768x48xf32>, vector<48x48xf32>, vector<768x48xf32> -> vector<768x48xf32>
    %concatenate3A = tpu.concatenate %dot_general3A_59, %dot_general3A_61 in 1 : vector<768x48xf32>, vector<768x48xf32> -> vector<768x96xf32>
    %iota3A_62 = tpu.iota {dimensions = array<i32: 0>} : vector<48x2304xi32>
    %iota3A_63 = tpu.iota {dimensions = array<i32: 1>} : vector<48x2304xi32>
    %jit3A_64 = arith.constant 48 : i32
    %div3A_65 = vector.broadcast %jit3A_64 : i32 to vector<48x2304xi32>
    %div3A_66 = arith.divsi %iota3A_63, %div3A_65 : vector<48x2304xi32>
    %sign3A_67 = arith.constant 0 : i32
    %sign3A_68 = vector.broadcast %sign3A_67 : i32 to vector<48x2304xi32>
    %sign3A_69 = arith.cmpi sgt, %iota3A_63, %sign3A_68 : vector<48x2304xi32>
    %sign3A_70 = arith.extui %sign3A_69 : vector<48x2304xi1> to vector<48x2304xi32>
    %sign3A_71 = arith.constant 0 : i32
    %sign3A_72 = vector.broadcast %sign3A_71 : i32 to vector<48x2304xi32>
    %sign3A_73 = arith.cmpi slt, %iota3A_63, %sign3A_72 : vector<48x2304xi32>
    %sign3A_74 = arith.extui %sign3A_73 : vector<48x2304xi1> to vector<48x2304xi32>
    %sign3A_75 = arith.subi %sign3A_70, %sign3A_74 : vector<48x2304xi32>
    %sign3A_76 = arith.constant 0 : i32
    %sign3A_77 = arith.cmpi sgt, %jit3A_64, %sign3A_76 : i32
    %sign3A_78 = arith.extui %sign3A_77 : i1 to i32
    %sign3A_79 = arith.constant 0 : i32
    %sign3A_80 = arith.cmpi slt, %jit3A_64, %sign3A_79 : i32
    %sign3A_81 = arith.extui %sign3A_80 : i1 to i32
    %sign3A_82 = arith.subi %sign3A_78, %sign3A_81 : i32
    %ne3A_83 = vector.broadcast %sign3A_82 : i32 to vector<48x2304xi32>
    %ne3A_84 = arith.cmpi ne, %sign3A_75, %ne3A_83 : vector<48x2304xi32>
    %rem3A_85 = vector.broadcast %jit3A_64 : i32 to vector<48x2304xi32>
    %rem3A_86 = arith.remsi %iota3A_63, %rem3A_85 : vector<48x2304xi32>
    %ne3A_87 = arith.constant 0 : i32
    %ne3A_88 = vector.broadcast %ne3A_87 : i32 to vector<48x2304xi32>
    %ne3A_89 = arith.cmpi ne, %rem3A_86, %ne3A_88 : vector<48x2304xi32>
    %and3A_90 = arith.andi %ne3A_84, %ne3A_89 : vector<48x2304xi1>
    %sub3A_91 = arith.constant 1 : i32
    %sub3A_92 = vector.broadcast %sub3A_91 : i32 to vector<48x2304xi32>
    %sub3A_93 = arith.subi %div3A_66, %sub3A_92 : vector<48x2304xi32>
    %select_n3A_94 = arith.select %and3A_90, %sub3A_93, %div3A_66 : vector<48x2304xi1>, vector<48x2304xi32>
    %eq3A_95 = arith.cmpi eq, %select_n3A_94, %iota3A_62 : vector<48x2304xi32>
    %convert_element_type3A_96 = arith.extui %eq3A_95 : vector<48x2304xi1> to vector<48x2304xi32>
    %convert_element_type3A_97 = arith.sitofp %convert_element_type3A_96 : vector<48x2304xi32> to vector<48x2304xf32>
    %jit3A_98 = arith.constant 48 : i32
    %eq3A_99 = arith.constant 0 : i32
    %eq3A_100 = arith.cmpi eq, %jit3A_98, %eq3A_99 : i32
    %jit3A_101 = arith.constant 1 : i32
    %select_n3A_102 = arith.select %eq3A_100, %jit3A_101, %jit3A_98 : i32
    %rem3A_103 = vector.broadcast %select_n3A_102 : i32 to vector<48x2304xi32>
    %rem3A_104 = arith.remsi %iota3A_63, %rem3A_103 : vector<48x2304xi32>
    %ne3A_105 = arith.constant 0 : i32
    %ne3A_106 = vector.broadcast %ne3A_105 : i32 to vector<48x2304xi32>
    %ne3A_107 = arith.cmpi ne, %rem3A_104, %ne3A_106 : vector<48x2304xi32>
    %lt3A_108 = arith.constant 0 : i32
    %lt3A_109 = vector.broadcast %lt3A_108 : i32 to vector<48x2304xi32>
    %lt3A_110 = arith.cmpi slt, %rem3A_104, %lt3A_109 : vector<48x2304xi32>
    %lt3A_111 = arith.constant 0 : i32
    %lt3A_112 = arith.cmpi slt, %select_n3A_102, %lt3A_111 : i32
    %ne3A_113 = vector.broadcast %lt3A_112 : i1 to vector<48x2304xi1>
    %ne3A_114 = vector.broadcast %ne3A_113 : vector<48x2304xi1> to vector<48x2304xi1>
    %ne3A_115 = arith.xori %lt3A_110, %ne3A_114 : vector<48x2304xi1>
    %and3A_116 = arith.andi %ne3A_115, %ne3A_107 : vector<48x2304xi1>
    %add3A_117 = vector.broadcast %select_n3A_102 : i32 to vector<48x2304xi32>
    %add3A_118 = arith.addi %rem3A_104, %add3A_117 : vector<48x2304xi32>
    %select_n3A_119 = arith.select %and3A_116, %add3A_118, %rem3A_104 : vector<48x2304xi1>, vector<48x2304xi32>
    %eq3A_120 = arith.cmpi eq, %select_n3A_119, %iota3A_62 : vector<48x2304xi32>
    %convert_element_type3A_121 = arith.extui %eq3A_120 : vector<48x2304xi1> to vector<48x2304xi32>
    %convert_element_type3A_122 = arith.sitofp %convert_element_type3A_121 : vector<48x2304xi32> to vector<48x2304xf32>
    %concatenate3A_123 = tpu.concatenate %convert_element_type3A_97, %convert_element_type3A_122 in 0 : vector<48x2304xf32>, vector<48x2304xf32> -> vector<96x2304xf32>
    %dot_general3A_124 = arith.constant dense<0.000000e+00> : vector<768x2304xf32>
    %dot_general3A_125 = tpu.matmul %concatenate3A, %concatenate3A_123, %dot_general3A_124 {dimension_numbers = #tpu.dot_dimension_numbers<[1], [0], [0], [1], [0, 0, 1, 1], [], []>, transpose_lhs_hint = false} : vector<768x96xf32>, vector<96x2304xf32>, vector<768x2304xf32> -> vector<768x2304xf32>
    %swap3A = arith.constant 0 : index
    %swap3A_126 = arith.constant 0 : index
    %swap3A_127 = arith.constant 0 : index
    %swap3A_128 = vector.load %arg4[%swap3A, %swap3A_126, %swap3A_127] : memref<1x768x2304xf32, #tpu.memory_space<vmem>>, vector<1x768x2304xf32>
    %swap3A_129 = vector.shape_cast %swap3A_128 : vector<1x768x2304xf32> to vector<768x2304xf32>
    %swap3A_130 = vector.shape_cast %dot_general3A_125 : vector<768x2304xf32> to vector<1x768x2304xf32>
    tpu.vector_store %arg4[%swap3A, %swap3A_126, %swap3A_127], %swap3A_130 {strides = array<i32>} : memref<1x768x2304xf32, #tpu.memory_space<vmem>>, vector<1x768x2304xf32>,
    return
  }
  func.func @transform_0(%arg0: i32, %arg1: i32) -> (i32, i32, i32) {
    %c0_i32 = arith.constant 0 : i32
    %c0_i32_0 = arith.constant 0 : i32
    return %arg0, %arg1, %c0_i32 : i32, i32, i32
  }
  func.func @transform_1(%arg0: i32, %arg1: i32) -> (i32, i32, i32) {
    %c0_i32 = arith.constant 0 : i32
    %c0_i32_0 = arith.constant 0 : i32
    %c0_i32_1 = arith.constant 0 : i32
    return %arg0, %c0_i32, %c0_i32_0 : i32, i32, i32
  }
  func.func @transform_2(%arg0: i32, %arg1: i32) -> (i32, i32, i32) {
    %c0_i32 = arith.constant 0 : i32
    %c0_i32_0 = arith.constant 0 : i32
    return %arg0, %arg1, %c0_i32 : i32, i32, i32
  }
}

</mosaic_0001>

<sc_bundles>
// kernel: kernel.4.cloned.1.call-start
scs
__scs_entry_jumppad:
0x0: {  	(pc) =	sbr.rel $0x88, $3  }
0x1: {  	(tag) =	ssettag $0x0;
	lr =	simm.s32 $0x1  }
0x2: {  	[smem:$0x3F9F] =	sst lr;
	_ =	strace $0xD0000000  }
0x3: {  	_ = 	snop  }
0x4: {  	_ = 	snop  }
0x5: {  	_ = 	snop  }
0x6: {  	_ = 	snop  }
0x7: {  	_ = 	snop  }
__scs_overlays_trampoline_lowered:
0x8: {  	[smem:$0x3FAE] =	sst s0  }
0x9: {  	[smem:$0x3FAF] =	sst s1  }
0xa: {  	[smem:$0x3FB0] =	sst s2  }
0xb: {  	[smem:$0x3FB1] =	sst s3  }
0xc: {  	[smem:$0x3FB2] =	sst s4  }
0xd: {  	[smem:$0x3FB3] =	sst s5  }
0xe: {  	[smem:$0x3FB4] =	sst s6  }
0xf: {  	[smem:$0x3FB5] =	sst s7  }
0x10: {  	[smem:$0x3FB6] =	sst s8  }
0x11: {  	[smem:$0x3FB7] =	sst s9;
	s0 =	simm.s32 @!p0 $0x0  }
0x12: {  	s1 =	sld [smem:$0x3F9D];
	s0 =	simm.s32 @p0 $0x1  }
0x13: {  	[smem:$0x3FB8] =	sst s0;
	s0 =	simm.s32 @!p1 $0x0  }
0x14: {  	s2 =	sld [smem:$0x3F9C];
	s0 =	simm.s32 @p1 $0x1  }
0x15: {  	[smem:$0x3FB9] =	sst s0;
	s0 =	simm.s32 @!p2 $0x0  }
0x16: {  	s3 =	sld [smem:$0x3FDB];
	s0 =	simm.s32 @p2 $0x1  }
0x17: {  	s4 =	simm.s32 $0x1BF5;
	[smem:$0x3FBB] =	sst s0  }
0x18: {  	s0 =	sld [smem:$0x3F9E];
	_ =	swait.ge [sflag:s4], $0x0  }
0x19: {  	s7 =	sld [smem:$0x3F9F]  }
0x1a: {  	s8 =	sadd.s32 $0xFFFFE003, lr  }
0x1b: {  	s9 =	sadd.s32 $0xFFFFFEF7, lr;
	s5 =	simm.s32 $0xFFFFFFFF;
	p2 =	slt.u32 s8, $0xFFFFF086  }
0x1c: {  	p1 =	slt.u32 s9, $0xF7A;
	s5 =	simm.s32 @!p2 $0x0  }
0x1d: {  	s5 =	simm.s32 @p1 $0x1;
	p0 =	seq.s32 s7, s2  }
0x1e: {  	s7 =	smul.u32 @!p0 $0xF7A, s2;
	p2 =	seq.s32 @!p0 s5, $0x0  }
0x1f: {  	s9 =	smul.u32 $0xF7A, s1;
	s8 =	simm.s32 @!p0 $0x1BF5;
	p2 =	por !p2, p0  }
0x20: {  	[sflag:s8] =	ssyncset.s32 @!p0 $0xFFFFF086;
	s6 =	sadd.s32 @!p0 s3, s7;
	s7 =	simm.s32 @!p0 $0x108  }
0x21: {  	s3 =	sadd.s32 s3, s9;
	s6 =	sadd.s32 @!p0 $0x88, s6;
	s7 =	simm.s32 @p2 $0x1082  }
0x22: {  	[simem:s7], [sflag:s8] =	dma.local @!p0 [hbm:s6], $0xF7A  }
0x23: {  	s9 =	sor.u32 $0xD0000000, s2;
	s6 =	simm.s32 $0x108;
	_ =	swait.ge @!p0 [sflag:s8], $0x0  }
0x24: {  	s3 =	sadd.s32 $0x88, s3;
	s6 =	simm.s32 @!p1 $0x1082;
	[sflag:s4] =	ssyncset.s32 $0xFFFFF086  }
0x25: {  	[simem:s6], [sflag:s4] =	dma.local [hbm:s3], $0xF7A  }
0x26: {  	[smem:$0x3F9F] =	sst s1;
	(tag) =	ssettag s2;
	_ =	strace s9  }
0x27: {  	s1 =	sld [smem:$0x3FAF]  }
0x28: {  	s2 =	sld [smem:$0x3FB0]  }
0x29: {  	s4 =	sld [smem:$0x3FB2]  }
0x2a: {  	p0 =	seq.s32 s5, $0x0;
	s5 =	sld [smem:$0x3FB3]  }
0x2b: {  	s6 =	sld [smem:$0x3FB4]  }
0x2c: {  	s7 =	sld [smem:$0x3FB5]  }
0x2d: {  	s3 =	simm.s32 $0x108;
	s8 =	sld [smem:$0x3FB6]  }
0x2e: {  	s3 =	simm.s32 @!p0 $0x1082;
	s9 =	sld [smem:$0x3FB7]  }
0x2f: {  	lr =	sadd.s32 s0, s3;
	s0 =	sld [smem:$0x3FAE]  }
0x30: {  	s3 =	sld [smem:$0x3FB1]  }
0x31: {  	[smem:$0x3FBA] =	sst s10  }
0x32: {  	s10 =	sld [smem:$0x3FB8];
	_ =	sdelay $0x3  }
0x33: {  	p0 =	seq.s32 s10, $0x1;
	s10 =	sld [smem:$0x3FBA];
	_ =	sdelay $0x3  }
0x34: {  	[smem:$0x3FBA] =	sst s10  }
0x35: {  	s10 =	sld [smem:$0x3FB9];
	_ =	sdelay $0x3  }
0x36: {  	p1 =	seq.s32 s10, $0x1;
	s10 =	sld [smem:$0x3FBA];
	_ =	sdelay $0x3  }
0x37: {  	[smem:$0x3FBA] =	sst s10  }
0x38: {  	s10 =	sld [smem:$0x3FBB]  }
0x39: {  	_ = 	snop;
	(pc) =	sbr.ind lr, $3  }
0x3a: {  	_ = 	snop  }
0x3b: {  	_ = 	snop  }
0x3c: {  	p2 =	seq.s32 s10, $0x1;
	s10 =	sld [smem:$0x3FBA]  }
0x3d: {  	_ =	shalt  }
0x3e: {  	_ =	shalt  }
0x3f: {  	_ =	shalt  }
0x40: {  	_ =	shalt  }
0x41: {  	_ =	shalt  }
0x42: {  	_ =	shalt  }
0x43: {  	_ =	shalt  }
0x44: {  	_ =	shalt  }
0x45: {  	_ =	shalt  }
0x46: {  	_ =	shalt  }
0x47: {  	_ =	shalt  }
0x48: {  	_ =	shalt  }
0x49: {  	_ =	shalt  }
0x4a: {  	_ =	shalt  }
0x4b: {  	_ =	shalt  }
0x4c: {  	_ =	shalt  }
0x4d: {  	_ =	shalt  }
0x4e: {  	_ =	shalt  }
0x4f: {  	_ =	shalt  }
0x50: {  	_ =	shalt  }
0x51: {  	_ =	shalt  }
0x52: {  	_ =	shalt  }
0x53: {  	_ =	shalt  }
0x54: {  	_ =	shalt  }
0x55: {  	_ =	shalt  }
0x56: {  	_ =	shalt  }
0x57: {  	_ =	shalt  }
0x58: {  	_ =	shalt  }
0x59: {  	_ =	shalt  }
0x5a: {  	_ =	shalt  }
0x5b: {  	_ =	shalt  }
0x5c: {  	_ =	shalt  }
0x5d: {  	_ =	shalt  }
0x5e: {  	_ =	shalt  }
0x5f: {  	_ =	shalt  }
0x60: {  	_ =	shalt  }
0x61: {  	_ =	shalt  }
0x62: {  	_ =	shalt  }
0x63: {  	_ =	shalt  }
0x64: {  	_ =	shalt  }
0x65: {  	_ =	shalt  }
0x66: {  	_ =	shalt  }
0x67: {  	_ =	shalt  }
0x68: {  	_ =	shalt  }
0x69: {  	_ =	shalt  }
0x6a: {  	_ =	shalt  }
0x6b: {  	_ =	shalt  }
0x6c: {  	_ =	shalt  }
0x6d: {  	_ =	shalt  }
0x6e: {  	_ =	shalt  }
0x6f: {  	_ =	shalt  }
0x70: {  	_ =	shalt  }
0x71: {  	_ =	shalt  }
0x72: {  	_ =	shalt  }
0x73: {  	_ =	shalt  }
0x74: {  	_ =	shalt  }
0x75: {  	_ =	shalt  }
0x76: {  	_ =	shalt  }
0x77: {  	_ =	shalt  }
0x78: {  	_ =	shalt  }
0x79: {  	_ =	shalt  }
0x7a: {  	_ =	shalt  }
0x7b: {  	_ =	shalt  }
0x7c: {  	_ =	shalt  }
0x7d: {  	_ =	shalt  }
0x7e: {  	_ =	shalt  }
0x7f: {  	_ =	shalt  }
0x80: {  	_ =	shalt  }
0x81: {  	_ =	shalt  }
0x82: {  	_ =	shalt  }
0x83: {  	_ =	shalt  }
0x84: {  	_ =	shalt  }
0x85: {  	_ =	shalt  }
0x86: {  	_ =	shalt  }
0x87: {  	_ =	shalt  }
.Lfunc_end0:
.L_simem_size_0:
called_computation_lowered:
.L_overlay_start_0:
0x88: {  	s2 =	sld [smem:$0x3FD9]  }
0x89: {  	s3 =	sld [smem:$0x3FFE];
	_ =	sdelay $0x1  }
0x8a: {  	s1 =	srdreg.scid  }
0x8b: {  	s0 =	sand.u32 $0x1, s1  }
0x8c: {  	s17 =	sshll.u32 s0, $0xA;
	s2 =	sadd.s32 s3, s2  }
0x8d: {  	s2 =	sadd.s32 s2, s17  }
0x8e: {  	[smem:$0x3FC6] =	sst s2  }
0x8f: {  	_ = 	snop  }
0x90: {  	s2 =	sld [smem:$0x3FD0];
	(tm) =	ssettm $0x1  }
0x91: {  	s18 =	sld [smem:$0x3FFB];
	_ =	sdelay $0x3  }
0x92: {  	_ =	strace s18  }
0x93: {  	s3 =	sld [smem:$0x3FFC];
	_ =	sdelay $0x3  }
0x94: {  	_ =	strace s3  }
0x95: {  	s3 =	sld [smem:$0x3FFD];
	_ =	sdelay $0x3  }
0x96: {  	_ =	strace s3  }
0x97: {  	_ =	strace $0x8FFFFFFF  }
0x98: {  	s19 =	sld [smem:$0x3FDB];
	_ =	sdelay $0x1  }
0x99: {  	s4 =	simm.s32 $_scs_section_size  }
0x9a: {  	s5 =	simm.s32 $_size__tile_overlayer_lowered;
	s6 =	simm.s32 $_tile_overlayer_lowered  }
0x9b: {  	s22 =	simm.s32 $0x1BFF;
	s21 =	sshll.u32 s6, $0x1;
	s3 =	sadd.s32 s4, s19  }
0x9c: {  	s7 =	simm.s32 $0x0;
	s20 =	sshll.u32 s5, $0x1;
	s5 =	sadd.s32 s21, s3  }
0x9d: {  	[timem:s7], [sflag:s22] =	dma.local [hbm:s5], s20  }
0x9e: {  	_ =	swait.ge [sflag:s22], s20  }
0x9f: {  	s4 =	ssub.s32 $0x0, s20;
	[sflag:s22] =	ssyncset.done $0x0  }
0xa0: {  	[sflag:s22] =	ssyncadd.s32 s4;
	_ =	sdelay $0x1  }
0xa1: {  	s23 =	simm.s32 $0x1B8B  }
0xa2: {  	_ =	swait.ge [sflag:s23], $0x1  }
0xa3: {  	[sflag:s23] =	ssyncset.done $0x0  }
0xa4: {  	s25 =	simm.s32 $0x1B8E;
	s24 =	sld [smem:$0x3FFE];
	[sflag:s23] =	ssyncadd.s32 $0xFFFFFFFF  }
0xa5: {  	s26 =	simm.s32 $execute0_lowered;
	[smem:$0x3FD2] =	sst s25  }
0xa6: {  	s5 =	sshll.u32 s26, $0x1;
	_ =	strace $0x80000046;
	[dreg:$0x1] =	wrdreg $0xFFFFFFFF  }
0xa7: {  	s28 =	simm.s32 $_size_execute0_lowered;
	s3 =	sadd.s32 s3, s5;
	[dreg:$0x0] =	wrdreg $0x0  }
0xa8: {  	s5 =	sshll.u32 s28, $0x1;
	[dreg:$0x2] =	wrdreg s3  }
0xa9: {  	[dreg:$0x3] =	wrdreg s5  }
0xaa: {  	[dreg:$0x4] =	wrdreg $0xC0  }
0xab: {  	_ =	task [dreg:s7], $0x5FFFF  }
0xac: {  	[dreg:$0x1] =	wrdreg $0xFFFFFFFF  }
0xad: {  	[dreg:$0x0] =	wrdreg $0x60  }
0xae: {  	[dreg:$0x2] =	wrdreg s24  }
0xaf: {  	[dreg:$0x3] =	wrdreg s2  }
0xb0: {  	[dreg:$0x4] =	wrdreg $0x9  }
0xb1: {  	_ =	task.clear_ibuf [dreg:s7], $0x5FFFF;
	_ =	strace $0x90000046  }
0xb2: {  	s29 =	simm.s32 $0x9;
	_ =	strace $0x80000048  }
0xb3: {  	_ =	swait.ge [sflag:s29], $0x1  }
0xb4: {  	[sflag:s29] =	ssyncadd.s32 $0xFFFFFFFF  }
0xb5: {  	_ =	strace $0x90000048  }
0xb6: {  	_ =	sfence  }
0xb7: {  	s30 =	sld [smem:$0x0];
	_ =	sdelay $0x2  }
0xb8: {  	s31 =	sshll.u32 s1, $0xD;
	s1 =	sshrl.u32 s1, $0x2  }
0xb9: {  	s3 =	sand.u32 $0x4000, s31;
	s1 =	sadd.s32 s1, s30  }
0xba: {  	s0 =	sor.u32 s3, s0;
	s1 =	sshll.u32 s1, $0x11  }
0xbb: {  	s0 =	sor.u32 s1, s0  }
0xbc: {  	s0 =	sadd.s32 $0x8F2B, s0  }
0xbd: {  	[sflag:s0] =	ssyncadd.remote.s32 $0x1  }
0xbe: {  	_ =	sfence.sel $0xFFFF  }
0xbf: {  	[dreg:$0x0] =	wrdreg $0xFFFFFFFF;
	(pc) =	sbr.abs _section_cstart, $3  }
0xc0: {  	[dreg:$0x1] =	wrdreg $0xFFFFFFFF  }
0xc1: {  	_ =	task.clear_ibuf [dreg:s7], $0x2FFFF;
	_ =	strace $0x9FFFFFFF  }
0xc2: {  	(tm) =	ssettm $0x7FFFFFFF  }
0xc3: {  	_ =	shalt  }
tec
execute0_lowered:
.L_overlay_start_1:
0x0: {  	(tag) =	ssettag $0x1  }
0x1: {  	s1 =	srdreg.scid;
	s0 =	stileid.u32  }
0x2: {  	s4 =	sand.u32 $0x1, s1;
	s28 =	sshll.u32 s0, $0x1  }
0x3: {  	s3 =	sor.u32 s4, s28  }
0x4: {  	s1 =	smul.u32 $0x48, s3;
	_ =	sdelay $0x1  }
0x5: {  	v0 =	vmov s1  }
0x6: {  	v0 =	vbroadcast v0, $0x0  }
0x7: {  	v1 =	vlaneseq.u32  }
0x8: {  	v0 =	vadd.s32 v1, v0  }
0x9: {  	s2 =	sadd.s32 $0x20, s1;
	v2 =	vmulhi.u32 $0xAAAAAAAB, v0  }
0xa: {  	v4 =	vmov s2  }
0xb: {  	s5 =	sadd.s32 $0x10, s1;
	s29 =	sadd.s32 $0x30, s1;
	s1 =	sadd.s32 $0x38, s1;
	v4 =	vbroadcast v4, $0x0;
	v2 =	vshrl.u32 v2, $0x5  }
0xc: {  	v6 =	vmov s1;
	v3 =	vmul.u32 $0xFFFFFFD0, v2  }
0xd: {  	v5 =	vmov s5;
	v6 =	vbroadcast v6, $0x0;
	v4 =	vadd.s32 v1, v4  }
0xe: {  	v0 =	vadd.s32 v0, v3;
	v3 =	vbroadcast v5, $0x0;
	v5 =	vmov s29  }
0xf: {  	v6 =	vadd.s32 v1, v6;
	v7 =	vmulhi.u32 $0xAAAAAAAB, v4;
	v5 =	vbroadcast v5, $0x0  }
0x10: {  	v10 =	vmulhi.u32 $0xAAAAAAAB, v6;
	v3 =	vadd.s32 v1, v3  }
0x11: {  	v8 =	vmulhi.u32 $0xAAAAAAAB, v3;
	v5 =	vadd.s32 v1, v5  }
0x12: {  	v7 =	vshrl.u32 v7, $0x5;
	v9 =	vmulhi.u32 $0xAAAAAAAB, v5  }
0x13: {  	v0 =	vxor.u32 $0x3F, v0;
	v1 =	vmul.u32 $0xFFFFFFD0, v7;
	v8 =	vshrl.u32 v8, $0x5  }
0x14: {  	s30 =	rddreg [dreg:$0x0];
	v0 =	vadd.s32 v2, v0;
	v2 =	vmul.u32 $0xFFFFFFD0, v8;
	v9 =	vshrl.u32 v9, $0x5  }
0x15: {  	s6 =	rddreg [dreg:$0x1];
	s2 =	simm.s32 $0x0;
	v10 =	vshrl.u32 v10, $0x5;
	v1 =	vadd.s32 v4, v1;
	v4 =	vmul.u32 $0xFFFFFFD0, v9  }
0x16: {  	[smem:$0x7FF] =	sst s2;
	v1 =	vxor.u32 $0x3F, v1;
	v2 =	vadd.s32 v3, v2;
	v3 =	vmul.u32 $0xFFFFFFD0, v10  }
0x17: {  	s1 =	rddreg [dreg:$0x2];
	_ =	strace $0x80000047;
	[tilespmem:$0x0] =	vst v0;
	v1 =	vadd.s32 v7, v1;
	v4 =	vadd.s32 v5, v4;
	v2 =	vxor.u32 $0x3F, v2  }
0x18: {  	s7 =	ssub.s32 $0x2, s4;
	[tilespmem:$0x20] =	vst v1;
	v2 =	vadd.s32 v8, v2;
	v5 =	vadd.s32 v6, v3;
	v3 =	vxor.u32 $0x3F, v4  }
0x19: {  	s9 =	sshrl.u32 s7, $0x1;
	v3 =	vadd.s32 v9, v3;
	v4 =	vxor.u32 $0x3F, v5;
	[tilespmem:$0x10] =	vst v2  }
0x1a: {  	s4 =	simm.s32 $0x1;
	s8 =	smul.u32 $0x120, s3;
	s7 =	ssub.s32 s7, s9;
	v4 =	vadd.s32 v10, v4;
	[tilespmem:$0x30] =	vst v3  }
0x1b: {  	s3 =	simm.s32 $0x48;
	s31 =	smax.u32 s7, $0x1;
	s5 =	sadd.s32 $0x600, s30;
	[tilespmem:$0x38] =	vst v4  }
0x1c: {  	[tilespmem:s3], [sflag:$0x1] =	stream.indirect.gather [hbm4b:s5+s3], $0x20, s2, s3, $0xb8;
	[tilespmem:$0x948] =	vst v63  }
0x1d: {  	p0 =	sne.s32 s31, $0x1;
	_ =	swait.ge [sflag:s4], $0x900  }
.Ltmp0:
0x1e: {  	[sflag:s4] =	ssyncset.done $0x0;
	(pc) =	sbr.rel @!p0 .LBB2_2-.Ltmp0, $4  }
0x1f: {  	s6 =	sadd.s32 s6, s8;
	s7 =	simm.s32 $0x2;
	[sflag:s4] =	ssyncadd.s32 $0xFFFFF700  }
0x20: {  	[hbm4b:s6+s2] =	stream.linear.scatter [tilespmem:s3], [sflag:$0x2], $0x900, $0x38;
	[tilespmem:$0x948] =	vst v63  }
0x21: {  	_ =	swait.ge [sflag:s7], $0x900  }
0x22: {  	s8 =	sadd.s32 $0xFFFFFFFF, s31;
	[sflag:s7] =	ssyncset.done $0x0  }
.LBB2_1:
0x23: {  	p0 =	sne.s32 s8, $0x1;
	s8 =	sadd.s32 $0xFFFFFFFF, s8;
	[sflag:s7] =	ssyncadd.s32 $0xFFFFF700  }
0x24: {  	[tilespmem:$0x0] =	vst v0  }
0x25: {  	[tilespmem:$0x20] =	vst v1  }
0x26: {  	[tilespmem:$0x10] =	vst v2  }
0x27: {  	[tilespmem:$0x30] =	vst v3  }
0x28: {  	[tilespmem:$0x38] =	vst v4  }
0x29: {  	[tilespmem:s3], [sflag:$0x1] =	stream.indirect.gather [hbm4b:s5+s3], $0x20, s2, s3, $0xb8;
	[tilespmem:$0x948] =	vst v63  }
0x2a: {  	_ =	swait.ge [sflag:s4], $0x900  }
.Ltmp1:
0x2b: {  	[sflag:s4] =	ssyncset.done $0x0;
	(pc) =	sbr.rel @p0 .LBB2_1-.Ltmp1, $4  }
0x2c: {  	[sflag:s4] =	ssyncadd.s32 $0xFFFFF700  }
0x2d: {  	[hbm4b:s6+s2] =	stream.linear.scatter [tilespmem:s3], [sflag:$0x2], $0x900, $0x38;
	[tilespmem:$0x948] =	vst v63  }
0x2e: {  	_ =	swait.ge [sflag:s7], $0x900  }
0x2f: {  	[sflag:s7] =	ssyncset.done $0x0  }
.LBB2_2:
0x30: {  	[sflag:s7] =	ssyncadd.s32 $0xFFFFF700  }
0x31: {  	_ =	sfence.sel $0x180000  }
0x32: {  	[bflag:$0x0] =	sbarrier.arrive $0xFFFF  }
0x33: {  	p0 =	sne.s32 s0, $0x0;
	_ =	strace $0x90000047  }
0x34: {  	s0 =	sadd.s32 @!p0 $0x100000, s1;
	[bflag:$0x2] =	sbarrier.arrive $0xFFFF  }
0x35: {  	[sflag:s0] =	ssyncadd.tile.s32 @!p0 $0x1;
	_ =	shalt  }
.Lfunc_end2:
_tile_overlayer_lowered:
.L_overlay_start_2:
0x36: {  	(tag) =	ssettag $0x2  }
0x37: {  	s0 =	rddreg [dreg:$0x0];
	s2 =	stileid.u32  }
0x38: {  	s1 =	rddreg [dreg:$0x1];
	p0 =	sne.s32 s2, $0x0  }
0x39: {  	s3 =	rddreg [dreg:$0x2];
	[bflag:$0x3] =	sbarrier.arrive $0xFFFF;
	s2 =	simm.s32 @!p0 $0x1C02  }
0x3a: {  	[timem:s3], [sflag:s2] =	dma.local @!p0 [hbm:s0], s1  }
0x3b: {  	s0 =	simm.s32 @!p0 $0x2  }
0x3c: {  	_ =	swait.ge @!p0 [sflag:s0], s1  }
0x3d: {  	s1 =	ssub.s32 @!p0 $0x0, s1;
	[sflag:s0] =	ssyncset.done @!p0 $0x0  }
0x3e: {  	[sflag:s0] =	ssyncadd.s32 @!p0 s1  }
0x3f: {  	[bflag:$0x3] =	sbarrier.arrive $0xFFFF  }
0x40: {  	_ =	shalt  }

</sc_bundles>
